<compile_context>
chip_gen: v7x
topology: tpu7x:2x2x1
jax: 0.10.2.dev20260603
libtpu: 0.0.44.dev20260713+nightly
codegen_flags: <defaults>
</compile_context>

<pallas_src>
import functools

import jax
import jax.numpy as jnp
from jax.experimental import pallas as pl

_TOP_K = 32


def _xt_kernel(x_ref, w_ref, out_ref):
    xt = jnp.dot(x_ref[0], w_ref[...], preferred_element_type=jnp.float32)
    norm = jnp.sqrt(jnp.sum(xt * xt, axis=1, keepdims=True))
    out_ref[0] = xt / jnp.maximum(norm, 1e-12)


def _colsum_i16(x):
    n = x.shape[0]
    while n > 16:
        n //= 2
        x = x[:n] + x[n:]
    return jnp.sum(x.astype(jnp.int32), axis=0, keepdims=True)


def _scores_kernel(xt_all_ref, xt_blk_ref, out_ref):
    xa = xt_all_ref[0]
    xb = xt_blk_ref[0]
    st = jax.lax.dot_general(
        xa, xb, (((1,), (1,)), ((), ())),
        preferred_element_type=jnp.float32)
    st = jnp.maximum(st, 0.0)

    bm = st.shape[1]
    bits = jax.lax.bitcast_convert_type(st, jnp.int32)
    top16 = (bits >> 16).astype(jnp.int16)
    low16 = ((bits & 0xFFFF) - 32768).astype(jnp.int16)

    lo_t = jnp.zeros((1, bm), jnp.int32)
    hi_t = jnp.full((1, bm), 0x4000, jnp.int32)

    def body_top(_, lohi):
        lo, hi = lohi
        mid = (lo + hi) >> 1
        t = mid.astype(jnp.int16)
        cnt = _colsum_i16((top16 >= t).astype(jnp.int16))
        ge = cnt >= _TOP_K
        return jnp.where(ge, mid, lo), jnp.where(ge, hi, mid)

    lo_t, hi_t = jax.lax.fori_loop(0, 14, body_top, (lo_t, hi_t))

    t_top = lo_t.astype(jnp.int16)
    in_bucket = top16 == t_top
    cnt_above = _colsum_i16((top16 > t_top).astype(jnp.int16))
    need = _TOP_K - cnt_above

    lo_l = jnp.full((1, bm), -32768, jnp.int32)
    hi_l = jnp.full((1, bm), 32768, jnp.int32)

    def body_low(_, lohi):
        lo, hi = lohi
        mid = (lo + hi) >> 1
        t = mid.astype(jnp.int16)
        cnt = _colsum_i16((in_bucket & (low16 >= t)).astype(jnp.int16))
        ge = cnt >= need
        return jnp.where(ge, mid, lo), jnp.where(ge, hi, mid)

    lo_l, hi_l = jax.lax.fori_loop(0, 16, body_low, (lo_l, hi_l))

    thresh_bits = (lo_t << 16) | (lo_l + 32768)
    thresh = jax.lax.bitcast_convert_type(thresh_bits, jnp.float32)

    e = jnp.where(st >= thresh, jnp.exp(st), 1.0)
    out_ref[0] = e / jnp.sum(e, axis=0, keepdims=True)


@functools.partial(jax.jit, static_argnames=())
def kernel(x, W):
    B, N, D = x.shape
    bm1 = 256
    xt = pl.pallas_call(
        _xt_kernel,
        grid=(B, N // bm1),
        in_specs=[
            pl.BlockSpec((1, bm1, D), lambda b, i: (b, i, 0)),
            pl.BlockSpec((D, D), lambda b, i: (0, 0)),
        ],
        out_specs=pl.BlockSpec((1, bm1, D), lambda b, i: (b, i, 0)),
        out_shape=jax.ShapeDtypeStruct((B, N, D), jnp.float32),
    )(x, W)

    bm2 = 256
    out_t = pl.pallas_call(
        _scores_kernel,
        grid=(B, N // bm2),
        in_specs=[
            pl.BlockSpec((1, N, D), lambda b, i: (b, 0, 0)),
            pl.BlockSpec((1, bm2, D), lambda b, i: (b, i, 0)),
        ],
        out_specs=pl.BlockSpec((1, N, bm2), lambda b, i: (b, 0, i)),
        out_shape=jax.ShapeDtypeStruct((B, N, N), jnp.float32),
    )(xt, xt)
    return jnp.swapaxes(out_t, 1, 2)

# --- scband reference (transcript-rebuilt; emitter-appended) ---
"""Pipeline reference for scband-graph-learner-75015898792625 (READ-ONLY COPY).

The authoritative reference and input builder live on the scoring server;
editing this copy changes nothing except your own understanding.
"""

import jax, jax.numpy as jnp
import numpy as np

TOP_K = 32
B, N, D = 4, 2048, 1024

def setup_inputs(seed: int = 0) -> dict:
    key = jax.random.key(seed)
    k1, k2 = jax.random.split(key)
    x = jax.random.normal(k1, (B, N, D), dtype=jnp.float32)
    limit = float(np.sqrt(6.0 / (D + D)))  # xavier_uniform for square weight
    W = jax.random.uniform(k2, (D, D), dtype=jnp.float32, minval=-limit, maxval=limit)
    return {"x": x, "W": W}

def reference(x, W):
    x_trans = jnp.matmul(x, W)
    # F.normalize(p=2, dim=-1) with eps=1e-12 clamp on the norm
    norm = jnp.linalg.norm(x_trans, ord=2, axis=-1, keepdims=True)
    x_trans = x_trans / jnp.maximum(norm, 1e-12)
    scores = jnp.matmul(x_trans, jnp.swapaxes(x_trans, 1, 2))
    scores = jax.nn.relu(scores)
    _, top_idx = jax.lax.top_k(scores, TOP_K)
    b = jnp.arange(B)[:, None, None]
    n = jnp.arange(N)[None, :, None]
    mask = jnp.zeros_like(scores).at[b, n, top_idx].set(1.0)
    scores = scores * mask
    adj_dynamic = jax.nn.softmax(scores, axis=-1)
    return adj_dynamic

if __name__ == "__main__":
    import jax
    _d = setup_inputs()
    print(jax.jit(kernel)(*tuple(_d.values())))

</pallas_src>

<mosaic_0001>
module attributes {stable_mosaic.version = 14 : i64} {
  func.func @_xt_kernel(%arg0: i32, %arg1: i32, %arg2: memref<1x256x1024xf32, #tpu.memory_space<vmem>>, %arg3: memref<1024x1024xf32, #tpu.memory_space<vmem>>, %arg4: memref<1x256x1024xf32, #tpu.memory_space<vmem>>) attributes {dimension_semantics = [#tpu.dimension_semantics<arbitrary>, #tpu.dimension_semantics<arbitrary>], iteration_bounds = array<i64: 4, 8>, scalar_prefetch = 0 : i64, scratch_operands = 0 : i64, tpu.core_type = #tpu.core_type<tc>, window_params = [{transform_indices = @transform_0, window_bounds = array<i64: 1, 256, 1024>}, {pipeline_mode = #tpu.pipeline_mode<synchronous>, transform_indices = @transform_1, window_bounds = array<i64: 1024, 1024>}, {transform_indices = @transform_2, window_bounds = array<i64: 1, 256, 1024>}]} {
    %get3A = arith.constant 0 : index
    %get3A_0 = arith.constant 0 : index
    %get3A_1 = arith.constant 0 : index
    %get3A_2 = vector.load %arg2[%get3A, %get3A_0, %get3A_1] : memref<1x256x1024xf32, #tpu.memory_space<vmem>>, vector<1x256x1024xf32>
    %get3A_3 = vector.shape_cast %get3A_2 : vector<1x256x1024xf32> to vector<256x1024xf32>
    %get3A_4 = arith.constant 0 : index
    %get3A_5 = arith.constant 0 : index
    %get3A_6 = vector.load %arg3[%get3A_4, %get3A_5] : memref<1024x1024xf32, #tpu.memory_space<vmem>>, vector<1024x1024xf32>
    %dot_general3A = arith.constant dense<0.000000e+00> : vector<256x1024xf32>
    %dot_general3A_7 = tpu.matmul %get3A_3, %get3A_6, %dot_general3A {dimension_numbers = #tpu.dot_dimension_numbers<[1], [0], [0], [1], [0, 0, 1, 1], [], []>, transpose_lhs_hint = false} : vector<256x1024xf32>, vector<1024x1024xf32>, vector<256x1024xf32> -> vector<256x1024xf32>
    %mul3A = arith.mulf %dot_general3A_7, %dot_general3A_7 : vector<256x1024xf32>
    %reduce_sum3A = arith.constant dense<0.000000e+00> : vector<256xf32>
    %reduce_sum3A_8 = vector.multi_reduction <add>, %mul3A, %reduce_sum3A [1] : vector<256x1024xf32> to vector<256xf32>
    %broadcast_in_dim3A = vector.shape_cast %reduce_sum3A_8 : vector<256xf32> to vector<256x1xf32>
    %sqrt3A = math.sqrt %broadcast_in_dim3A : vector<256x1xf32>
    %max3A = arith.constant 9.99999996E-13 : f32
    %max3A_9 = vector.broadcast %max3A : f32 to vector<256x1xf32>
    %max3A_10 = arith.maximumf %sqrt3A, %max3A_9 : vector<256x1xf32>
    %div3A = vector.broadcast %max3A_10 : vector<256x1xf32> to vector<256x1024xf32>
    %div3A_11 = arith.divf %dot_general3A_7, %div3A : vector<256x1024xf32>
    %swap3A = arith.constant 0 : index
    %swap3A_12 = arith.constant 0 : index
    %swap3A_13 = arith.constant 0 : index
    %swap3A_14 = vector.load %arg4[%swap3A, %swap3A_12, %swap3A_13] : memref<1x256x1024xf32, #tpu.memory_space<vmem>>, vector<1x256x1024xf32>
    %swap3A_15 = vector.shape_cast %swap3A_14 : vector<1x256x1024xf32> to vector<256x1024xf32>
    %swap3A_16 = vector.shape_cast %div3A_11 : vector<256x1024xf32> to vector<1x256x1024xf32>
    tpu.vector_store %arg4[%swap3A, %swap3A_12, %swap3A_13], %swap3A_16 {strides = array<i32>} : memref<1x256x1024xf32, #tpu.memory_space<vmem>>, vector<1x256x1024xf32>,
    return
  }
  func.func @transform_0(%arg0: i32, %arg1: i32) -> (i32, i32, i32) {
    %c0_i32 = arith.constant 0 : i32
    %c0_i32_0 = arith.constant 0 : i32
    return %arg0, %arg1, %c0_i32 : i32, i32, i32
  }
  func.func @transform_1(%arg0: i32, %arg1: i32) -> (i32, i32) {
    %c0_i32 = arith.constant 0 : i32
    %c0_i32_0 = arith.constant 0 : i32
    %c0_i32_1 = arith.constant 0 : i32
    return %c0_i32, %c0_i32_0 : i32, i32
  }
  func.func @transform_2(%arg0: i32, %arg1: i32) -> (i32, i32, i32) {
    %c0_i32 = arith.constant 0 : i32
    %c0_i32_0 = arith.constant 0 : i32
    return %arg0, %arg1, %c0_i32 : i32, i32, i32
  }
}

module attributes {stable_mosaic.version = 14 : i64} {
  func.func @_scores_kernel(%arg0: i32, %arg1: i32, %arg2: memref<1x2048x1024xf32, #tpu.memory_space<vmem>>, %arg3: memref<1x256x1024xf32, #tpu.memory_space<vmem>>, %arg4: memref<1x2048x256xf32, #tpu.memory_space<vmem>>) attributes {dimension_semantics = [#tpu.dimension_semantics<arbitrary>, #tpu.dimension_semantics<arbitrary>], iteration_bounds = array<i64: 4, 8>, scalar_prefetch = 0 : i64, scratch_operands = 0 : i64, tpu.core_type = #tpu.core_type<tc>, window_params = [{transform_indices = @transform_0, window_bounds = array<i64: 1, 2048, 1024>}, {transform_indices = @transform_1, window_bounds = array<i64: 1, 256, 1024>}, {transform_indices = @transform_2, window_bounds = array<i64: 1, 2048, 256>}]} {
    %get3A = arith.constant 0 : index
    %get3A_0 = arith.constant 0 : index
    %get3A_1 = arith.constant 0 : index
    %get3A_2 = vector.load %arg2[%get3A, %get3A_0, %get3A_1] : memref<1x2048x1024xf32, #tpu.memory_space<vmem>>, vector<1x2048x1024xf32>
    %get3A_3 = vector.shape_cast %get3A_2 : vector<1x2048x1024xf32> to vector<2048x1024xf32>
    %get3A_4 = arith.constant 0 : index
    %get3A_5 = arith.constant 0 : index
    %get3A_6 = arith.constant 0 : index
    %get3A_7 = vector.load %arg3[%get3A_4, %get3A_5, %get3A_6] : memref<1x256x1024xf32, #tpu.memory_space<vmem>>, vector<1x256x1024xf32>
    %get3A_8 = vector.shape_cast %get3A_7 : vector<1x256x1024xf32> to vector<256x1024xf32>
    %dot_general3A = arith.constant dense<0.000000e+00> : vector<2048x256xf32>
    %dot_general3A_9 = tpu.matmul %get3A_3, %get3A_8, %dot_general3A {dimension_numbers = #tpu.dot_dimension_numbers<[1], [1], [0], [0], [0, 0, 1, 0], [], []>, transpose_lhs_hint = false} : vector<2048x1024xf32>, vector<256x1024xf32>, vector<2048x256xf32> -> vector<2048x256xf32>
    %max3A = arith.constant 0.000000e+00 : f32
    %max3A_10 = vector.broadcast %max3A : f32 to vector<2048x256xf32>
    %max3A_11 = arith.maximumf %dot_general3A_9, %max3A_10 : vector<2048x256xf32>
    %bitcast_convert_type3A = tpu.bitcast %max3A_11 : vector<2048x256xf32> -> vector<2048x256xi32>
    %shift_right_arithmetic3A = arith.constant 16 : i32
    %shift_right_arithmetic3A_12 = vector.broadcast %shift_right_arithmetic3A : i32 to vector<2048x256xi32>
    %shift_right_arithmetic3A_13 = arith.shrsi %bitcast_convert_type3A, %shift_right_arithmetic3A_12 : vector<2048x256xi32>
    %convert_element_type3A = arith.trunci %shift_right_arithmetic3A_13 : vector<2048x256xi32> to vector<2048x256xi16>
    %and3A = arith.constant 65535 : i32
    %and3A_14 = vector.broadcast %and3A : i32 to vector<2048x256xi32>
    %and3A_15 = arith.andi %bitcast_convert_type3A, %and3A_14 : vector<2048x256xi32>
    %sub3A = arith.constant 32768 : i32
    %sub3A_16 = vector.broadcast %sub3A : i32 to vector<2048x256xi32>
    %sub3A_17 = arith.subi %and3A_15, %sub3A_16 : vector<2048x256xi32>
    %convert_element_type3A_18 = arith.trunci %sub3A_17 : vector<2048x256xi32> to vector<2048x256xi16>
    %broadcast_in_dim3A = arith.constant 0 : i32
    %broadcast_in_dim3A_19 = vector.broadcast %broadcast_in_dim3A : i32 to vector<1x256xi32>
    %broadcast_in_dim3A_20 = arith.constant 16384 : i32
    %broadcast_in_dim3A_21 = vector.broadcast %broadcast_in_dim3A_20 : i32 to vector<1x256xi32>
    %scan3A = arith.constant 0 : i32
    %scan3A_22 = arith.constant 14 : i32
    %scan3A_23 = arith.addi %scan3A, %scan3A_22 : i32
    %scan3A_24 = arith.constant 1 : i32
    %scan3A_25:2 = scf.for %scan3A_81 = %scan3A to %scan3A_23 step %scan3A_24 iter_args(%scan3A_82 = %broadcast_in_dim3A_19, %scan3A_83 = %broadcast_in_dim3A_21) -> (vector<1x256xi32>, vector<1x256xi32>)  : i32 {
      %add3A_84 = arith.addi %scan3A_82, %scan3A_83 : vector<1x256xi32>
      %shift_right_arithmetic3A_85 = arith.constant 1 : i32
      %shift_right_arithmetic3A_86 = vector.broadcast %shift_right_arithmetic3A_85 : i32 to vector<1x256xi32>
      %shift_right_arithmetic3A_87 = arith.shrsi %add3A_84, %shift_right_arithmetic3A_86 : vector<1x256xi32>
      %convert_element_type3A_88 = arith.trunci %shift_right_arithmetic3A_87 : vector<1x256xi32> to vector<1x256xi16>
      %ge3A_89 = vector.broadcast %convert_element_type3A_88 : vector<1x256xi16> to vector<2048x256xi16>
      %ge3A_90 = arith.cmpi sge, %convert_element_type3A, %ge3A_89 : vector<2048x256xi16>
      %convert_element_type3A_91 = arith.extui %ge3A_90 : vector<2048x256xi1> to vector<2048x256xi16>
      %slice3A_92 = vector.extract_strided_slice %convert_element_type3A_91 {offsets = [0, 0], sizes = [1024, 256], strides = [1, 1]} : vector<2048x256xi16> to vector<1024x256xi16>
      %slice3A_93 = vector.extract_strided_slice %convert_element_type3A_91 {offsets = [1024, 0], sizes = [1024, 256], strides = [1, 1]} : vector<2048x256xi16> to vector<1024x256xi16>
      %add3A_94 = arith.addi %slice3A_92, %slice3A_93 : vector<1024x256xi16>
      %slice3A_95 = vector.extract_strided_slice %add3A_94 {offsets = [0, 0], sizes = [512, 256], strides = [1, 1]} : vector<1024x256xi16> to vector<512x256xi16>
      %slice3A_96 = vector.extract_strided_slice %add3A_94 {offsets = [512, 0], sizes = [512, 256], strides = [1, 1]} : vector<1024x256xi16> to vector<512x256xi16>
      %add3A_97 = arith.addi %slice3A_95, %slice3A_96 : vector<512x256xi16>
      %slice3A_98 = vector.extract_strided_slice %add3A_97 {offsets = [0, 0], sizes = [256, 256], strides = [1, 1]} : vector<512x256xi16> to vector<256x256xi16>
      %slice3A_99 = vector.extract_strided_slice %add3A_97 {offsets = [256, 0], sizes = [256, 256], strides = [1, 1]} : vector<512x256xi16> to vector<256x256xi16>
      %add3A_100 = arith.addi %slice3A_98, %slice3A_99 : vector<256x256xi16>
      %slice3A_101 = vector.extract_strided_slice %add3A_100 {offsets = [0, 0], sizes = [128, 256], strides = [1, 1]} : vector<256x256xi16> to vector<128x256xi16>
      %slice3A_102 = vector.extract_strided_slice %add3A_100 {offsets = [128, 0], sizes = [128, 256], strides = [1, 1]} : vector<256x256xi16> to vector<128x256xi16>
      %add3A_103 = arith.addi %slice3A_101, %slice3A_102 : vector<128x256xi16>
      %slice3A_104 = vector.extract_strided_slice %add3A_103 {offsets = [0, 0], sizes = [64, 256], strides = [1, 1]} : vector<128x256xi16> to vector<64x256xi16>
      %slice3A_105 = vector.extract_strided_slice %add3A_103 {offsets = [64, 0], sizes = [64, 256], strides = [1, 1]} : vector<128x256xi16> to vector<64x256xi16>
      %add3A_106 = arith.addi %slice3A_104, %slice3A_105 : vector<64x256xi16>
      %slice3A_107 = vector.extract_strided_slice %add3A_106 {offsets = [0, 0], sizes = [32, 256], strides = [1, 1]} : vector<64x256xi16> to vector<32x256xi16>
      %slice3A_108 = vector.extract_strided_slice %add3A_106 {offsets = [32, 0], sizes = [32, 256], strides = [1, 1]} : vector<64x256xi16> to vector<32x256xi16>
      %add3A_109 = arith.addi %slice3A_107, %slice3A_108 : vector<32x256xi16>
      %slice3A_110 = vector.extract_strided_slice %add3A_109 {offsets = [0, 0], sizes = [16, 256], strides = [1, 1]} : vector<32x256xi16> to vector<16x256xi16>
      %slice3A_111 = vector.extract_strided_slice %add3A_109 {offsets = [16, 0], sizes = [16, 256], strides = [1, 1]} : vector<32x256xi16> to vector<16x256xi16>
      %add3A_112 = arith.addi %slice3A_110, %slice3A_111 : vector<16x256xi16>
      %convert_element_type3A_113 = arith.extsi %add3A_112 : vector<16x256xi16> to vector<16x256xi32>
      %reduce_sum3A_114 = arith.constant dense<0> : vector<256xi32>
      %reduce_sum3A_115 = vector.multi_reduction <add>, %convert_element_type3A_113, %reduce_sum3A_114 [0] : vector<16x256xi32> to vector<256xi32>
      %broadcast_in_dim3A_116 = vector.shape_cast %reduce_sum3A_115 : vector<256xi32> to vector<1x256xi32>
      %ge3A_117 = arith.constant 32 : i32
      %ge3A_118 = vector.broadcast %ge3A_117 : i32 to vector<1x256xi32>
      %ge3A_119 = arith.cmpi sge, %broadcast_in_dim3A_116, %ge3A_118 : vector<1x256xi32>
      %select_n3A_120 = arith.select %ge3A_119, %shift_right_arithmetic3A_87, %scan3A_82 : vector<1x256xi1>, vector<1x256xi32>
      %select_n3A_121 = arith.select %ge3A_119, %scan3A_83, %shift_right_arithmetic3A_87 : vector<1x256xi1>, vector<1x256xi32>
      scf.yield %select_n3A_120, %select_n3A_121 : vector<1x256xi32>, vector<1x256xi32>
    }
    %convert_element_type3A_26 = arith.trunci %scan3A_25#0 : vector<1x256xi32> to vector<1x256xi16>
    %eq3A = vector.broadcast %convert_element_type3A_26 : vector<1x256xi16> to vector<2048x256xi16>
    %eq3A_27 = arith.cmpi eq, %convert_element_type3A, %eq3A : vector<2048x256xi16>
    %gt3A = vector.broadcast %convert_element_type3A_26 : vector<1x256xi16> to vector<2048x256xi16>
    %gt3A_28 = arith.cmpi sgt, %convert_element_type3A, %gt3A : vector<2048x256xi16>
    %convert_element_type3A_29 = arith.extui %gt3A_28 : vector<2048x256xi1> to vector<2048x256xi16>
    %slice3A = vector.extract_strided_slice %convert_element_type3A_29 {offsets = [0, 0], sizes = [1024, 256], strides = [1, 1]} : vector<2048x256xi16> to vector<1024x256xi16>
    %slice3A_30 = vector.extract_strided_slice %convert_element_type3A_29 {offsets = [1024, 0], sizes = [1024, 256], strides = [1, 1]} : vector<2048x256xi16> to vector<1024x256xi16>
    %add3A = arith.addi %slice3A, %slice3A_30 : vector<1024x256xi16>
    %slice3A_31 = vector.extract_strided_slice %add3A {offsets = [0, 0], sizes = [512, 256], strides = [1, 1]} : vector<1024x256xi16> to vector<512x256xi16>
    %slice3A_32 = vector.extract_strided_slice %add3A {offsets = [512, 0], sizes = [512, 256], strides = [1, 1]} : vector<1024x256xi16> to vector<512x256xi16>
    %add3A_33 = arith.addi %slice3A_31, %slice3A_32 : vector<512x256xi16>
    %slice3A_34 = vector.extract_strided_slice %add3A_33 {offsets = [0, 0], sizes = [256, 256], strides = [1, 1]} : vector<512x256xi16> to vector<256x256xi16>
    %slice3A_35 = vector.extract_strided_slice %add3A_33 {offsets = [256, 0], sizes = [256, 256], strides = [1, 1]} : vector<512x256xi16> to vector<256x256xi16>
    %add3A_36 = arith.addi %slice3A_34, %slice3A_35 : vector<256x256xi16>
    %slice3A_37 = vector.extract_strided_slice %add3A_36 {offsets = [0, 0], sizes = [128, 256], strides = [1, 1]} : vector<256x256xi16> to vector<128x256xi16>
    %slice3A_38 = vector.extract_strided_slice %add3A_36 {offsets = [128, 0], sizes = [128, 256], strides = [1, 1]} : vector<256x256xi16> to vector<128x256xi16>
    %add3A_39 = arith.addi %slice3A_37, %slice3A_38 : vector<128x256xi16>
    %slice3A_40 = vector.extract_strided_slice %add3A_39 {offsets = [0, 0], sizes = [64, 256], strides = [1, 1]} : vector<128x256xi16> to vector<64x256xi16>
    %slice3A_41 = vector.extract_strided_slice %add3A_39 {offsets = [64, 0], sizes = [64, 256], strides = [1, 1]} : vector<128x256xi16> to vector<64x256xi16>
    %add3A_42 = arith.addi %slice3A_40, %slice3A_41 : vector<64x256xi16>
    %slice3A_43 = vector.extract_strided_slice %add3A_42 {offsets = [0, 0], sizes = [32, 256], strides = [1, 1]} : vector<64x256xi16> to vector<32x256xi16>
    %slice3A_44 = vector.extract_strided_slice %add3A_42 {offsets = [32, 0], sizes = [32, 256], strides = [1, 1]} : vector<64x256xi16> to vector<32x256xi16>
    %add3A_45 = arith.addi %slice3A_43, %slice3A_44 : vector<32x256xi16>
    %slice3A_46 = vector.extract_strided_slice %add3A_45 {offsets = [0, 0], sizes = [16, 256], strides = [1, 1]} : vector<32x256xi16> to vector<16x256xi16>
    %slice3A_47 = vector.extract_strided_slice %add3A_45 {offsets = [16, 0], sizes = [16, 256], strides = [1, 1]} : vector<32x256xi16> to vector<16x256xi16>
    %add3A_48 = arith.addi %slice3A_46, %slice3A_47 : vector<16x256xi16>
    %convert_element_type3A_49 = arith.extsi %add3A_48 : vector<16x256xi16> to vector<16x256xi32>
    %reduce_sum3A = arith.constant dense<0> : vector<256xi32>
    %reduce_sum3A_50 = vector.multi_reduction <add>, %convert_element_type3A_49, %reduce_sum3A [0] : vector<16x256xi32> to vector<256xi32>
    %broadcast_in_dim3A_51 = vector.shape_cast %reduce_sum3A_50 : vector<256xi32> to vector<1x256xi32>
    %sub3A_52 = arith.constant 32 : i32
    %sub3A_53 = vector.broadcast %sub3A_52 : i32 to vector<1x256xi32>
    %sub3A_54 = arith.subi %sub3A_53, %broadcast_in_dim3A_51 : vector<1x256xi32>
    %broadcast_in_dim3A_55 = arith.constant -32768 : i32
    %broadcast_in_dim3A_56 = vector.broadcast %broadcast_in_dim3A_55 : i32 to vector<1x256xi32>
    %broadcast_in_dim3A_57 = arith.constant 32768 : i32
    %broadcast_in_dim3A_58 = vector.broadcast %broadcast_in_dim3A_57 : i32 to vector<1x256xi32>
    %scan3A_59 = arith.constant 0 : i32
    %scan3A_60 = arith.constant 16 : i32
    %scan3A_61 = arith.addi %scan3A_59, %scan3A_60 : i32
    %scan3A_62 = arith.constant 1 : i32
    %scan3A_63:2 = scf.for %scan3A_81 = %scan3A_59 to %scan3A_61 step %scan3A_62 iter_args(%scan3A_82 = %broadcast_in_dim3A_56, %scan3A_83 = %broadcast_in_dim3A_58) -> (vector<1x256xi32>, vector<1x256xi32>)  : i32 {
      %add3A_84 = arith.addi %scan3A_82, %scan3A_83 : vector<1x256xi32>
      %shift_right_arithmetic3A_85 = arith.constant 1 : i32
      %shift_right_arithmetic3A_86 = vector.broadcast %shift_right_arithmetic3A_85 : i32 to vector<1x256xi32>
      %shift_right_arithmetic3A_87 = arith.shrsi %add3A_84, %shift_right_arithmetic3A_86 : vector<1x256xi32>
      %convert_element_type3A_88 = arith.trunci %shift_right_arithmetic3A_87 : vector<1x256xi32> to vector<1x256xi16>
      %ge3A_89 = vector.broadcast %convert_element_type3A_88 : vector<1x256xi16> to vector<2048x256xi16>
      %ge3A_90 = arith.cmpi sge, %convert_element_type3A_18, %ge3A_89 : vector<2048x256xi16>
      %and3A_91 = arith.andi %eq3A_27, %ge3A_90 : vector<2048x256xi1>
      %convert_element_type3A_92 = arith.extui %and3A_91 : vector<2048x256xi1> to vector<2048x256xi16>
      %slice3A_93 = vector.extract_strided_slice %convert_element_type3A_92 {offsets = [0, 0], sizes = [1024, 256], strides = [1, 1]} : vector<2048x256xi16> to vector<1024x256xi16>
      %slice3A_94 = vector.extract_strided_slice %convert_element_type3A_92 {offsets = [1024, 0], sizes = [1024, 256], strides = [1, 1]} : vector<2048x256xi16> to vector<1024x256xi16>
      %add3A_95 = arith.addi %slice3A_93, %slice3A_94 : vector<1024x256xi16>
      %slice3A_96 = vector.extract_strided_slice %add3A_95 {offsets = [0, 0], sizes = [512, 256], strides = [1, 1]} : vector<1024x256xi16> to vector<512x256xi16>
      %slice3A_97 = vector.extract_strided_slice %add3A_95 {offsets = [512, 0], sizes = [512, 256], strides = [1, 1]} : vector<1024x256xi16> to vector<512x256xi16>
      %add3A_98 = arith.addi %slice3A_96, %slice3A_97 : vector<512x256xi16>
      %slice3A_99 = vector.extract_strided_slice %add3A_98 {offsets = [0, 0], sizes = [256, 256], strides = [1, 1]} : vector<512x256xi16> to vector<256x256xi16>
      %slice3A_100 = vector.extract_strided_slice %add3A_98 {offsets = [256, 0], sizes = [256, 256], strides = [1, 1]} : vector<512x256xi16> to vector<256x256xi16>
      %add3A_101 = arith.addi %slice3A_99, %slice3A_100 : vector<256x256xi16>
      %slice3A_102 = vector.extract_strided_slice %add3A_101 {offsets = [0, 0], sizes = [128, 256], strides = [1, 1]} : vector<256x256xi16> to vector<128x256xi16>
      %slice3A_103 = vector.extract_strided_slice %add3A_101 {offsets = [128, 0], sizes = [128, 256], strides = [1, 1]} : vector<256x256xi16> to vector<128x256xi16>
      %add3A_104 = arith.addi %slice3A_102, %slice3A_103 : vector<128x256xi16>
      %slice3A_105 = vector.extract_strided_slice %add3A_104 {offsets = [0, 0], sizes = [64, 256], strides = [1, 1]} : vector<128x256xi16> to vector<64x256xi16>
      %slice3A_106 = vector.extract_strided_slice %add3A_104 {offsets = [64, 0], sizes = [64, 256], strides = [1, 1]} : vector<128x256xi16> to vector<64x256xi16>
      %add3A_107 = arith.addi %slice3A_105, %slice3A_106 : vector<64x256xi16>
      %slice3A_108 = vector.extract_strided_slice %add3A_107 {offsets = [0, 0], sizes = [32, 256], strides = [1, 1]} : vector<64x256xi16> to vector<32x256xi16>
      %slice3A_109 = vector.extract_strided_slice %add3A_107 {offsets = [32, 0], sizes = [32, 256], strides = [1, 1]} : vector<64x256xi16> to vector<32x256xi16>
      %add3A_110 = arith.addi %slice3A_108, %slice3A_109 : vector<32x256xi16>
      %slice3A_111 = vector.extract_strided_slice %add3A_110 {offsets = [0, 0], sizes = [16, 256], strides = [1, 1]} : vector<32x256xi16> to vector<16x256xi16>
      %slice3A_112 = vector.extract_strided_slice %add3A_110 {offsets = [16, 0], sizes = [16, 256], strides = [1, 1]} : vector<32x256xi16> to vector<16x256xi16>
      %add3A_113 = arith.addi %slice3A_111, %slice3A_112 : vector<16x256xi16>
      %convert_element_type3A_114 = arith.extsi %add3A_113 : vector<16x256xi16> to vector<16x256xi32>
      %reduce_sum3A_115 = arith.constant dense<0> : vector<256xi32>
      %reduce_sum3A_116 = vector.multi_reduction <add>, %convert_element_type3A_114, %reduce_sum3A_115 [0] : vector<16x256xi32> to vector<256xi32>
      %broadcast_in_dim3A_117 = vector.shape_cast %reduce_sum3A_116 : vector<256xi32> to vector<1x256xi32>
      %ge3A_118 = arith.cmpi sge, %broadcast_in_dim3A_117, %sub3A_54 : vector<1x256xi32>
      %select_n3A_119 = arith.select %ge3A_118, %shift_right_arithmetic3A_87, %scan3A_82 : vector<1x256xi1>, vector<1x256xi32>
      %select_n3A_120 = arith.select %ge3A_118, %scan3A_83, %shift_right_arithmetic3A_87 : vector<1x256xi1>, vector<1x256xi32>
      scf.yield %select_n3A_119, %select_n3A_120 : vector<1x256xi32>, vector<1x256xi32>
    }
    %shift_left3A = arith.constant 16 : i32
    %shift_left3A_64 = vector.broadcast %shift_left3A : i32 to vector<1x256xi32>
    %shift_left3A_65 = arith.shli %scan3A_25#0, %shift_left3A_64 : vector<1x256xi32>
    %add3A_66 = arith.constant 32768 : i32
    %add3A_67 = vector.broadcast %add3A_66 : i32 to vector<1x256xi32>
    %add3A_68 = arith.addi %scan3A_63#0, %add3A_67 : vector<1x256xi32>
    %or3A = arith.ori %shift_left3A_65, %add3A_68 : vector<1x256xi32>
    %bitcast_convert_type3A_69 = tpu.bitcast %or3A : vector<1x256xi32> -> vector<1x256xf32>
    %ge3A = vector.broadcast %bitcast_convert_type3A_69 : vector<1x256xf32> to vector<2048x256xf32>
    %ge3A_70 = arith.cmpf oge, %max3A_11, %ge3A : vector<2048x256xf32>
    %exp3A = math.exp %max3A_11 : vector<2048x256xf32>
    %jit3A = arith.constant 1.000000e+00 : f32
    %broadcast_in_dim3A_71 = vector.broadcast %jit3A : f32 to vector<2048x256xf32>
    %select_n3A = arith.select %ge3A_70, %exp3A, %broadcast_in_dim3A_71 : vector<2048x256xi1>, vector<2048x256xf32>
    %reduce_sum3A_72 = arith.constant dense<0.000000e+00> : vector<256xf32>
    %reduce_sum3A_73 = vector.multi_reduction <add>, %select_n3A, %reduce_sum3A_72 [0] : vector<2048x256xf32> to vector<256xf32>
    %broadcast_in_dim3A_74 = vector.shape_cast %reduce_sum3A_73 : vector<256xf32> to vector<1x256xf32>
    %div3A = vector.broadcast %broadcast_in_dim3A_74 : vector<1x256xf32> to vector<2048x256xf32>
    %div3A_75 = arith.divf %select_n3A, %div3A : vector<2048x256xf32>
    %swap3A = arith.constant 0 : index
    %swap3A_76 = arith.constant 0 : index
    %swap3A_77 = arith.constant 0 : index
    %swap3A_78 = vector.load %arg4[%swap3A, %swap3A_76, %swap3A_77] : memref<1x2048x256xf32, #tpu.memory_space<vmem>>, vector<1x2048x256xf32>
    %swap3A_79 = vector.shape_cast %swap3A_78 : vector<1x2048x256xf32> to vector<2048x256xf32>
    %swap3A_80 = vector.shape_cast %div3A_75 : vector<2048x256xf32> to vector<1x2048x256xf32>
    tpu.vector_store %arg4[%swap3A, %swap3A_76, %swap3A_77], %swap3A_80 {strides = array<i32>} : memref<1x2048x256xf32, #tpu.memory_space<vmem>>, vector<1x2048x256xf32>,
    return
  }
  func.func @transform_0(%arg0: i32, %arg1: i32) -> (i32, i32, i32) {
    %c0_i32 = arith.constant 0 : i32
    %c0_i32_0 = arith.constant 0 : i32
    %c0_i32_1 = arith.constant 0 : i32
    return %arg0, %c0_i32, %c0_i32_0 : i32, i32, i32
  }
  func.func @transform_1(%arg0: i32, %arg1: i32) -> (i32, i32, i32) {
    %c0_i32 = arith.constant 0 : i32
    %c0_i32_0 = arith.constant 0 : i32
    return %arg0, %arg1, %c0_i32 : i32, i32, i32
  }
  func.func @transform_2(%arg0: i32, %arg1: i32) -> (i32, i32, i32) {
    %c0_i32 = arith.constant 0 : i32
    %c0_i32_0 = arith.constant 0 : i32
    return %arg0, %c0_i32, %arg1 : i32, i32, i32
  }
}

</mosaic_0001>

<sc_bundles>
// kernel: sparse-core-data-format-call.cloned.1.call-start
scs
called_computation_lowered:
.L_overlay_start_0:
0x0: {  	s2 =	sld [smem:$0x3FD9]  }
0x1: {  	s3 =	sld [smem:$0x3FFE];
	_ =	sdelay $0x1  }
0x2: {  	s1 =	srdreg.scid  }
0x3: {  	s0 =	sand.u32 $0x1, s1  }
0x4: {  	s18 =	sshll.u32 s0, $0xA;
	s2 =	sadd.s32 s3, s2  }
0x5: {  	s2 =	sadd.s32 s2, s18  }
0x6: {  	[smem:$0x3FC6] =	sst s2  }
0x7: {  	_ = 	snop  }
0x8: {  	s2 =	sld [smem:$0x3FD0];
	(tm) =	ssettm $0x1  }
0x9: {  	s19 =	sld [smem:$0x3FFB];
	_ =	sdelay $0x3  }
0xa: {  	_ =	strace s19  }
0xb: {  	s3 =	sld [smem:$0x3FFC];
	_ =	sdelay $0x3  }
0xc: {  	_ =	strace s3  }
0xd: {  	s3 =	sld [smem:$0x3FFD];
	_ =	sdelay $0x3  }
0xe: {  	_ =	strace s3  }
0xf: {  	_ =	strace $0x8FFFFFFF  }
0x10: {  	s20 =	sld [smem:$0x3FDB];
	_ =	sdelay $0x1  }
0x11: {  	s4 =	simm.s32 $_scs_section_size  }
0x12: {  	s5 =	simm.s32 $_size__tile_overlayer_lowered;
	s6 =	simm.s32 $_tile_overlayer_lowered  }
0x13: {  	s23 =	simm.s32 $0x1BFF;
	s22 =	sshll.u32 s6, $0x1;
	s3 =	sadd.s32 s4, s20  }
0x14: {  	s7 =	simm.s32 $0x0;
	s21 =	sshll.u32 s5, $0x1;
	s5 =	sadd.s32 s22, s3  }
0x15: {  	[timem:s7], [sflag:s23] =	dma.local [hbm:s5], s21  }
0x16: {  	_ =	swait.ge [sflag:s23], s21  }
0x17: {  	s4 =	ssub.s32 $0x0, s21;
	[sflag:s23] =	ssyncset.done $0x0  }
0x18: {  	[sflag:s23] =	ssyncadd.s32 s4;
	_ =	sdelay $0x1  }
0x19: {  	s24 =	simm.s32 $0x1B8B  }
0x1a: {  	_ =	swait.ge [sflag:s24], $0x1  }
0x1b: {  	[sflag:s24] =	ssyncset.done $0x0  }
0x1c: {  	s26 =	simm.s32 $0x1B8E;
	s25 =	sld [smem:$0x3FFE];
	[sflag:s24] =	ssyncadd.s32 $0xFFFFFFFF  }
0x1d: {  	s27 =	simm.s32 $execute0_lowered;
	[smem:$0x3FD2] =	sst s26  }
0x1e: {  	s5 =	sshll.u32 s27, $0x1;
	_ =	strace $0x80000046;
	[dreg:$0x1] =	wrdreg $0xFFFFFFFF  }
0x1f: {  	s28 =	simm.s32 $_size_execute0_lowered;
	s3 =	sadd.s32 s3, s5;
	[dreg:$0x0] =	wrdreg $0x0  }
0x20: {  	s5 =	sshll.u32 s28, $0x1;
	[dreg:$0x2] =	wrdreg s3  }
0x21: {  	[dreg:$0x3] =	wrdreg s5  }
0x22: {  	[dreg:$0x4] =	wrdreg $0xC0  }
0x23: {  	_ =	task [dreg:s7], $0x5FFFF  }
0x24: {  	[dreg:$0x1] =	wrdreg $0xFFFFFFFF  }
0x25: {  	[dreg:$0x0] =	wrdreg $0x60  }
0x26: {  	[dreg:$0x2] =	wrdreg s25  }
0x27: {  	[dreg:$0x3] =	wrdreg s2  }
0x28: {  	[dreg:$0x4] =	wrdreg $0x9  }
0x29: {  	_ =	task.clear_ibuf [dreg:s7], $0x5FFFF;
	_ =	strace $0x90000046  }
0x2a: {  	s29 =	simm.s32 $0x9;
	_ =	strace $0x80000048  }
0x2b: {  	_ =	swait.ge [sflag:s29], $0x1  }
0x2c: {  	[sflag:s29] =	ssyncadd.s32 $0xFFFFFFFF  }
0x2d: {  	_ =	strace $0x90000048  }
0x2e: {  	_ =	sfence  }
0x2f: {  	s30 =	sld [smem:$0x0];
	_ =	sdelay $0x2  }
0x30: {  	s31 =	sshll.u32 s1, $0xD;
	s1 =	sshrl.u32 s1, $0x2  }
0x31: {  	s3 =	sand.u32 $0x4000, s31;
	s1 =	sadd.s32 s1, s30  }
0x32: {  	s0 =	sor.u32 s3, s0;
	s1 =	sshll.u32 s1, $0x11  }
0x33: {  	s0 =	sor.u32 s1, s0  }
0x34: {  	s0 =	sadd.s32 $0x8F2B, s0  }
0x35: {  	[sflag:s0] =	ssyncadd.remote.s32 $0x1  }
0x36: {  	_ =	sfence.sel $0xFFFF  }
0x37: {  	[dreg:$0x0] =	wrdreg $0xFFFFFFFF;
	(pc) =	sbr.abs _section_cstart, $3  }
0x38: {  	[dreg:$0x1] =	wrdreg $0xFFFFFFFF  }
0x39: {  	_ =	task.clear_ibuf [dreg:s7], $0x2FFFF;
	_ =	strace $0x9FFFFFFF  }
0x3a: {  	(tm) =	ssettm $0x7FFFFFFF  }
0x3b: {  	_ =	shalt  }
tec
execute0_lowered:
.L_overlay_start_1:
0x0: {  	(tag) =	ssettag $0x1  }
0x1: {  	s0 =	stileid.u32;
	s4 =	rddreg [dreg:$0x0]  }
0x2: {  	s1 =	srdreg.scid;
	s3 =	rddreg [dreg:$0x1];
	s7 =	simm.s32 $0x1  }
0x3: {  	s31 =	simm.s32 $0x2;
	s2 =	sshll.u32 s0, $0x5;
	s1 =	sshll.u32 s1, $0x9  }
0x4: {  	s16 =	simm.s32 $0x0;
	s9 =	simm.s32 $0x4000;
	s1 =	sor.u32 s2, s1  }
0x5: {  	s14 =	simm.s32 $0x0;
	s15 =	simm.s32 $0x0;
	s2 =	sand.u32 $0x380, s1  }
0x6: {  	s10 =	simm.s32 $0x0;
	s13 =	simm.s32 $0x0;
	s5 =	ssub.s32 $0x800, s2  }
0x7: {  	s4 =	sadd.s32 $0x600, s4;
	s1 =	rddreg [dreg:$0x2];
	s6 =	sand.u32 $0x380, s5  }
.Ltmp0:
0x8: {  	_ =	strace $0x80000047;
	p0 =	sne.s32 s6, $0x0;
	(pc) =	sbr.rel .LBB1_1-.Ltmp0, $4  }
0x9: {  	s11 =	smov.u32 s2;
	s8 =	sshrl.u32 s5, $0xA;
	s7 =	simm.s32 @!p0 $0x0  }
0xa: {  	s5 =	sand.u32 $0x3, s0;
	s6 =	simm.s32 $0x1;
	s7 =	sadd.s32 s7, s8  }
0xb: {  	s12 =	smov.u32 s5;
	[sflag:s6] =	ssyncpa.u1 $0x0;
	s7 =	sshll.u32 s7, $0x4  }
0xc: {  	p0 =	por $0x0, $0x0;
	[sflag:s31] =	ssyncpa.u1 $0x0;
	s8 =	sor.u32 $0x1, s7  }
.LBB1_4:
0xd: {  	v5 =	vld [tilespmem:s19+$0xFFFFFFD0]  }
0xe: {  	[tilespmem:s20+$0x2040 ss:$0x81] =	vst.msk $0xffff, v1;
	v58 =	vld [tilespmem:s19+$0xFFFFFFE0]  }
0xf: {  	[tilespmem:s20+$0x2850 ss:$0x81] =	vst.msk $0xffff, v2;
	v59 =	vld [tilespmem:s19+$0xFFFFFFF0]  }
0x10: {  	s21 =	sshra.s32 s21, $0x2;
	[tilespmem:s20+$0x3060 ss:$0x81] =	vst.msk $0xffff, v3;
	v60 =	vld [tilespmem:s19+$0x0]  }
0x11: {  	[tilespmem:s20+$0x0 ss:$0x81] =	vst.msk $0xffff, v0;
	v61 =	vld [tilespmem:s19+$0x10];
	s18 =	sadd.s32 s21, s18  }
0x12: {  	s26 =	sshll.u32 s16, $0xB;
	v62 =	vld [tilespmem:s19+$0x20];
	[tilespmem:s18+$0x3870 ss:$0x81] =	vst.msk $0xffff, v4  }
0x13: {  	s27 =	sand.u32 $0x78, s14;
	s22 =	sshll.u32 s14, $0x3;
	v63 =	vld [tilespmem:s19+$0xFFFFFFC0];
	s29 =	sshll.u32 s16, $0x7;
	[tilespmem:s18+$0x810 ss:$0x81] =	vst.msk $0xffff, v5  }
0x14: {  	s15 =	sshll.u32 s15, $0x13;
	s20 =	sand.u32 $0x3FC000, s26;
	s28 =	sand.u32 $0x3FFC00, s22;
	[tilespmem:s18+$0x1020 ss:$0x81] =	vst.msk $0xffff, v58  }
0x15: {  	s31 =	sand.u32 $0x7, s14;
	s22 =	sand.u32 $0x400, s22;
	s19 =	sadd.s32 s28, s20;
	[tilespmem:s18+$0x1830 ss:$0x81] =	vst.msk $0xffff, v59  }
0x16: {  	s16 =	sand.u32 $0x380, s29;
	s30 =	sor.u32 s27, s22;
	s19 =	sshrl.u32 s19, $0x3;
	[tilespmem:s18+$0x2040 ss:$0x81] =	vst.msk $0xffff, v60  }
0x17: {  	s15 =	sadd.s32 s3, s15;
	s16 =	sor.u32 s16, s30;
	s19 =	sand.u32 $0x7FF00, s19;
	[tilespmem:s18+$0x2850 ss:$0x81] =	vst.msk $0xffff, v61  }
0x18: {  	s14 =	sshll.u32 s31, $0x12;
	s16 =	sshrl.u32 s16, $0x3;
	[tilespmem:s18+$0x3060 ss:$0x81] =	vst.msk $0xffff, v62;
	s15 =	sadd.s32 s19, s15  }
0x19: {  	s14 =	sor.u32 $0x400, s14;
	[tilespmem:s18+$0x0 ss:$0x81] =	vst.msk $0xffff, v63;
	s15 =	sadd.s32 s16, s15  }
0x1a: {  	[hbm4b:s15+s14] =	stream.strided.scatter [tilespmem:s17], [sflag:$0x2], $0x4000, s9, s14, $0x20;
	[tilespmem:$0x10100] =	vst v63  }
.LBB1_5:
0x1b: {  	s17 =	sadd.s32 $0x80, s10  }
0x1c: {  	s14 =	sadd.s32 $0x400, s11;
	s18 =	smov.u32 s11;
	p2 =	sgt.s32 s17, $0x7FF  }
0x1d: {  	s18 =	smov.u32 @p2 s14  }
0x1e: {  	s20 =	smov.u32 s12;
	s14 =	sadd.s32 $0x4, s12;
	p3 =	sgt.s32 s18, $0x7FF  }
0x1f: {  	s20 =	smov.u32 @p3 s14  }
0x20: {  	s17 =	simm.s32 @p2 $0x0;
	p2 =	sgt.s32 s20, $0x3  }
0x21: {  	p1 =	slt.u32 s13, $0x2;
	s20 =	smov.u32 @p2 s5;
	p2 =	sne.s32 s13, s8  }
.Ltmp1:
0x22: {  	s19 =	simm.s32 @!p1 $0x2;
	(pc) =	sbr.rel @!p2 .LBB1_6-.Ltmp1, $4  }
0x23: {  	s16 =	smov.u32 s10;
	s15 =	smov.u32 s12;
	_ =	swait.ge @!p1 [sflag:s19], $0x4000  }
0x24: {  	p0 =	por !p0, !p0;
	[sflag:s19] =	ssyncset.done @!p1 $0x0;
	s10 =	smov.u32 s17  }
0x25: {  	s18 =	smov.u32 @p3 s2;
	s14 =	smov.u32 s11;
	[sflag:s19] =	ssyncadd.s32 @!p1 $0xFFFFC000  }
0x26: {  	s11 =	smov.u32 s18;
	s13 =	sadd.s32 $0x1, s13;
	s12 =	smov.u32 s20  }
.LBB1_1:
0x27: {  	p1 =	sge.u32 s13, s7;
	s31 =	sadd.s32 $0xFFFFFFFF, s13  }
0x28: {  	s17 =	sxor.u32 @!p1 $0xFFFFFFFF, s13;
	s18 =	sand.u32 @!p1 $0x78, s10;
	s19 =	sshll.u32 @!p1 s11, $0xB  }
0x29: {  	s20 =	sshll.u32 @!p1 s11, $0x7;
	s21 =	sshll.u32 @!p1 s10, $0x3;
	s17 =	sshll.u32 @!p1 s17, $0xE  }
0x2a: {  	s19 =	sand.u32 @!p1 $0x3FC000, s19;
	s20 =	sand.u32 @!p1 $0x380, s20;
	s17 =	sand.u32 @!p1 $0x4000, s17  }
0x2b: {  	s19 =	sadd.s32 @!p1 s19, s21;
	s21 =	sand.u32 @!p1 $0x400, s21;
	s18 =	sor.u32 @!p1 s20, s18  }
0x2c: {  	s20 =	sshll.u32 @!p1 s12, $0x13;
	s18 =	sor.u32 @!p1 s21, s18;
	s19 =	sshrl.u32 @!p1 s19, $0x3  }
0x2d: {  	s20 =	sadd.s32 @!p1 s4, s20;
	s21 =	sand.u32 @!p1 $0x7, s10;
	s19 =	sand.u32 @!p1 $0x7FF00, s19  }
0x2e: {  	s18 =	sshrl.u32 @!p1 s18, $0x3;
	s19 =	sadd.s32 @!p1 s19, s20;
	s20 =	sshll.u32 @!p1 s21, $0x12  }
0x2f: {  	s18 =	sadd.s32 @!p1 s18, s19;
	s19 =	sor.u32 @!p1 $0x400, s20;
	s20 =	simm.s32 @!p1 $0x4000  }
0x30: {  	[tilespmem:s17], [sflag:$0x1] =	stream.strided.gather @!p1 [hbm4b:s18+s19], $0x4000, s20, s19, $0x38;
	[tilespmem:$0x10100] =	vst v63  }
0x31: {  	p1 =	sge.u32 s31, s7  }
.Ltmp2:
0x32: {  	_ = 	snop;
	(pc) =	sbr.rel @p1 .LBB1_5-.Ltmp2, $1  }
0x33: {  	_ =	sdelay $0x3  }
0x34: {  	s17 =	simm.s32 $0x1  }
0x35: {  	_ =	swait.ge [sflag:s6], $0x4000;
	s17 =	simm.s32 @!p0 $0x0  }
0x36: {  	[sflag:s6] =	ssyncset.done $0x0;
	s18 =	sshll.u32 s17, $0xE  }
0x37: {  	[sflag:s6] =	ssyncadd.s32 $0xFFFFC000;
	s19 =	sor.u32 $0x40, s18  }
0x38: {  	s17 =	smul.u32 $0x10200, s17;
	v0 =	vld [tilespmem:s19+$0x30]  }
0x39: {  	v3 =	vld [tilespmem:s19+$0xFFFFFFD0]  }
0x3a: {  	s17 =	sshrl.u32 s17, $0x2;
	v4 =	vld [tilespmem:s19+$0xFFFFFFE0]  }
0x3b: {  	v5 =	vld [tilespmem:s19+$0xFFFFFFF0];
	s18 =	sor.u32 $0x8000, s17  }
0x3c: {  	s31 =	sand.u32 $0x1, s13;
	v1 =	vld [tilespmem:s19+$0x0];
	s20 =	sadd.s32 $0x0, s18  }
0x3d: {  	v2 =	vld [tilespmem:s19+$0x10];
	s17 =	smul.u32 $0x10200, s31;
	[tilespmem:s20+$0x3870 ss:$0x81] =	vst.msk $0xffff, v0  }
0x3e: {  	[tilespmem:s20+$0x810 ss:$0x81] =	vst.msk $0xffff, v3;
	v3 =	vld [tilespmem:s19+$0x20]  }
0x3f: {  	s17 =	sshrl.u32 s17, $0x2;
	v0 =	vld [tilespmem:s19+$0xFFFFFFC0];
	[tilespmem:s20+$0x1020 ss:$0x81] =	vst.msk $0xffff, v4;
	s19 =	sadd.s32 $0x80, s19  }
0x40: {  	s21 =	simm.s32 $0x4;
	s22 =	simm.s32 $0x8;
	s17 =	sor.u32 $0x8000, s17;
	[tilespmem:s20+$0x1830 ss:$0x81] =	vst.msk $0xffff, v5;
	v4 =	vld [tilespmem:s19+$0x30]  }
.LBB1_3:
0x41: {  	p1 =	sne.s32 s22, $0x1FC;
	v5 =	vld [tilespmem:s19+$0xFFFFFFD0];
	[tilespmem:s20+$0x2040 ss:$0x81] =	vst.msk $0xffff, v1  }
0x42: {  	v6 =	vld [tilespmem:s19+$0xFFFFFFE0];
	[tilespmem:s20+$0x2850 ss:$0x81] =	vst.msk $0xffff, v2  }
0x43: {  	s23 =	sshra.s32 s21, $0x2;
	s21 =	smov.u32 s22;
	v7 =	vld [tilespmem:s19+$0xFFFFFFF0];
	[tilespmem:s20+$0x3060 ss:$0x81] =	vst.msk $0xffff, v3  }
.Ltmp3:
0x44: {  	v1 =	vld [tilespmem:s19+$0x0];
	[tilespmem:s20+$0x0 ss:$0x81] =	vst.msk $0xffff, v0;
	s20 =	sadd.s32 s23, s18;
	(pc) =	sbr.rel @p1 .LBB1_3-.Ltmp3, $4  }
0x45: {  	v2 =	vld [tilespmem:s19+$0x10];
	[tilespmem:s20+$0x3870 ss:$0x81] =	vst.msk $0xffff, v4  }
0x46: {  	[tilespmem:s20+$0x810 ss:$0x81] =	vst.msk $0xffff, v5;
	v3 =	vld [tilespmem:s19+$0x20]  }
0x47: {  	v0 =	vld [tilespmem:s19+$0xFFFFFFC0];
	[tilespmem:s20+$0x1020 ss:$0x81] =	vst.msk $0xffff, v6;
	s19 =	sadd.s32 $0x80, s19  }
0x48: {  	s22 =	sadd.s32 $0x4, s22;
	v4 =	vld [tilespmem:s19+$0x30];
	[tilespmem:s20+$0x1830 ss:$0x81] =	vst.msk $0xffff, v7  }
.Ltmp4:
0x49: {  	_ = 	snop;
	(pc) =	sbr.rel .LBB1_4-.Ltmp4, $1  }
0x4a: {  	_ =	sdelay $0x3  }
.LBB1_6:
0x4b: {  	_ =	sfence.sel $0x180000  }
0x4c: {  	s2 =	simm.s32 $0x1;
	[bflag:$0x0] =	sbarrier.arrive $0xFFFF  }
0x4d: {  	s31 =	simm.s32 $0x2;
	[sflag:s2] =	ssyncpa.u1 $0x1  }
0x4e: {  	[sflag:s31] =	ssyncpa.u1 $0x1  }
0x4f: {  	p0 =	sne.s32 s0, $0x0;
	_ =	strace $0x90000047  }
0x50: {  	s0 =	sadd.s32 @!p0 $0x100000, s1;
	[bflag:$0x2] =	sbarrier.arrive $0xFFFF  }
0x51: {  	[sflag:s0] =	ssyncadd.tile.s32 @!p0 $0x1;
	_ =	shalt  }
.Lfunc_end1:
_tile_overlayer_lowered:
.L_overlay_start_2:
0x52: {  	(tag) =	ssettag $0x2  }
0x53: {  	s0 =	rddreg [dreg:$0x0];
	s2 =	stileid.u32  }
0x54: {  	s1 =	rddreg [dreg:$0x1];
	p0 =	sne.s32 s2, $0x0  }
0x55: {  	s3 =	rddreg [dreg:$0x2];
	[bflag:$0x3] =	sbarrier.arrive $0xFFFF;
	s2 =	simm.s32 @!p0 $0x1C01  }
0x56: {  	[timem:s3], [sflag:s2] =	dma.local @!p0 [hbm:s0], s1  }
0x57: {  	s0 =	simm.s32 @!p0 $0x1  }
0x58: {  	_ =	swait.ge @!p0 [sflag:s0], s1  }
0x59: {  	s1 =	ssub.s32 @!p0 $0x0, s1;
	[sflag:s0] =	ssyncset.done @!p0 $0x0  }
0x5a: {  	[sflag:s0] =	ssyncadd.s32 @!p0 s1  }
0x5b: {  	[bflag:$0x3] =	sbarrier.arrive $0xFFFF  }
0x5c: {  	_ =	shalt  }

</sc_bundles>
